<compile_context>
chip_gen: v7x
topology: tpu7x:2x2x1
jax: 0.10.2.dev20260603
libtpu: 0.0.44.dev20260713+nightly
codegen_flags: <defaults>
</compile_context>

<pallas_src>
import functools

import numpy as np
import jax
import jax.numpy as jnp
from jax import lax
from jax.experimental import pallas as pl
from jax.experimental.pallas import tpu as pltpu
from jax.experimental.pallas import tpu_sc as plsc

_DIM_USED = np.array([6, 7, 8, 9, 10, 11, 12, 13, 14, 15, 16, 17, 21, 22, 23,
                      24, 25, 26, 27, 28, 29, 30, 31, 32, 36, 37, 38, 39, 40,
                      41, 42, 43, 44, 45, 46, 47, 51, 52, 53, 54, 55, 56, 57,
                      58, 59, 63, 64, 65, 66, 67, 68, 75, 76, 77, 78, 79, 80,
                      81, 82, 83, 87, 88, 89, 90, 91, 92])


def _j2i(x):
    return np.concatenate((x * 3, x * 3 + 1, x * 3 + 2))


_IDX_COPY = _j2i(np.array([0, 1, 6, 11]))
_IDX_EQUAL = _j2i(np.array([13, 19, 22, 13, 27, 30]))
_IDX_IGNORE = _j2i(np.array([16, 20, 23, 24, 28, 31]))

_MEAN = np.array([-108.0207, -357.1349, 162.4628, -60.3845, -749.3369, 54.4319, -62.5515, -800.5543, 189.4915, -72.9842, -804.0154, 254.9969, 150.332, -345.0031, 167.558, 133.2313, -745.717, 69.9487, 150.413, -782.4758, 205.3246, 159.4026, -775.569, 269.4921, -17.8942, 222.0518, -13.1888, -30.9244, 453.2491, 38.2384, -42.9791, 515.5094, 121.5481, -54.5557, 609.9525, 92.0117, 108.75, 415.4085, 26.6593, 236.89, 221.6402, 45.1059, 186.8823, 145.6833, 149.6532, 151.0743, 178.7816, 164.5888, 195.3418, 129.4365, 194.8929, -164.118, 396.0086, 24.8246, -265.7541, 195.1504, 54.709, -215.6535, 165.0968, 169.1314, -198.0947, 202.279, 171.9553, -220.7997, 158.5216, 222.7706], dtype=np.float64)

_STD = np.array([66.3929, 119.1274, 151.6286, 112.3741, 175.5857, 208.0643, 125.001, 168.7289, 222.087, 132.8225, 168.7699, 224.09, 75.9225, 136.5678, 156.0372, 132.4222, 182.5029, 208.6887, 158.7869, 174.4053, 218.7376, 170.3442, 173.4497, 219.1369, 19.7102, 17.9596, 63.2551, 52.4272, 51.2776, 137.7591, 68.3521, 84.5895, 155.2936, 78.1808, 85.8814, 186.8668, 47.0589, 52.5975, 136.8256, 72.152, 107.0486, 169.2219, 151.7592, 199.0935, 191.9489, 155.2793, 205.1654, 185.0615, 190.2583, 245.5722, 214.5396, 44.9131, 56.8072, 131.6514, 73.948, 119.211, 158.9703, 141.729, 228.1124, 186.8918, 146.0417, 220.1406, 180.3148, 185.631, 302.1246, 223.1294], dtype=np.float64)


def _build_maps():
    pos = {int(d): i for i, d in enumerate(_DIM_USED)}
    g = np.zeros(96, dtype=np.int32)
    scale = np.zeros(96, dtype=np.float64)
    bias = np.zeros(96, dtype=np.float64)
    cmask = np.zeros(96, dtype=np.float64)
    for i, d in enumerate(_DIM_USED):
        g[d] = i
        scale[d] = _STD[i]
        bias[d] = _MEAN[i]
    for i, d in enumerate(_IDX_IGNORE):
        j = pos[int(_IDX_EQUAL[i])]
        g[d] = j
        scale[d] = _STD[j]
        bias[d] = _MEAN[j]
    for d in _IDX_COPY:
        g[d] = 0
        scale[d] = 0.0
        bias[d] = 0.0
        cmask[d] = 1.0
    return g, scale, bias, cmask


_G96, _SCALE96, _BIAS96, _CMASK96 = _build_maps()

_W = np.zeros((66, 96), dtype=np.float64)
_W[_G96, np.arange(96)] = _SCALE96
_W_f32 = np.asarray(_W, dtype=np.float32)
_BIAS_f32 = np.asarray(_BIAS96.reshape(1, 96), dtype=np.float32)
_CMASK_f32 = np.asarray(_CMASK96.reshape(1, 96), dtype=np.float32)

_BB = 256


def _tc_body(w_ref, bias_ref, cmask_ref, obs_ref, pred_ref, out_ref):
    w = w_ref[...]
    b = bias_ref[...]
    o = obs_ref[...] * cmask_ref[...]
    for t in range(25):
        p_t = pred_ref[:, t, :]
        y = jax.lax.dot_general(
            p_t, w, (((1,), (0,)), ((), ())),
            preferred_element_type=jnp.float32,
            precision=jax.lax.Precision.HIGHEST)
        out_ref[:, t, :] = y + b + o


def _tc_impl(observed_pose, pred_pose):
    B, T, _ = pred_pose.shape
    obs_last = observed_pose[:, -1, :]
    grid = (B // _BB,)
    return pl.pallas_call(
        _tc_body,
        grid=grid,
        in_specs=[
            pl.BlockSpec((66, 96), lambda i: (0, 0)),
            pl.BlockSpec((1, 96), lambda i: (0, 0)),
            pl.BlockSpec((1, 96), lambda i: (0, 0)),
            pl.BlockSpec((_BB, 96), lambda i: (i, 0)),
            pl.BlockSpec((_BB, T, 66), lambda i: (i, 0, 0)),
        ],
        out_specs=pl.BlockSpec((_BB, T, 96), lambda i: (i, 0, 0)),
        out_shape=jax.ShapeDtypeStruct((B, T, 96), jnp.float32),
    )(_W_f32, _BIAS_f32, _CMASK_f32, obs_last, pred_pose)


_NB = 16


def _sc_impl(observed_pose, pred_pose):
    B, T, K = pred_pose.shape
    TO = observed_pose.shape[1]
    D = 96
    info = plsc.get_sparse_core_info()
    NC, NS = info.num_cores, info.num_subcores
    NW = NC * NS
    per_w = B // NW
    n_chunks = per_w // _NB

    pred1 = pred_pose.reshape(B * T * K)
    idx_c = jnp.asarray(_G96, dtype=jnp.int32)
    fc_c = jnp.asarray(np.stack([_SCALE96, _BIAS96, _CMASK96]),
                       dtype=jnp.float32)

    mesh = plsc.VectorSubcoreMesh(core_axis_name="c", subcore_axis_name="s")

    @functools.partial(
        pl.kernel,
        out_type=jax.ShapeDtypeStruct((B * T * D,), jnp.float32),
        mesh=mesh,
        compiler_params=pltpu.CompilerParams(needs_layout_passes=False),
        scratch_types=[
            pltpu.VMEM((96,), jnp.int32),
            pltpu.VMEM((3, 96), jnp.float32),
            pltpu.VMEM((_NB, 1, D), jnp.float32),
            pltpu.VMEM((_NB * T * K,), jnp.float32),
            pltpu.VMEM((_NB * T * D,), jnp.float32),
        ],
    )
    def run(idx_hbm, fc_hbm, obs_hbm, pred_hbm, out_hbm,
            idx_v, fc_v, obs_v, pred_v, out_v):
        wid = lax.axis_index("s") * NC + lax.axis_index("c")
        base = wid * per_w
        pltpu.sync_copy(idx_hbm, idx_v)
        pltpu.sync_copy(fc_hbm, fc_v)
        gi = [idx_v[pl.ds(16 * g, 16)] for g in range(6)]
        scl = [fc_v[0, pl.ds(16 * g, 16)] for g in range(6)]
        bia = [fc_v[1, pl.ds(16 * g, 16)] for g in range(6)]
        cmk = [fc_v[2, pl.ds(16 * g, 16)] for g in range(3)]

        def chunk_body(c, carry):
            b0 = base + c * _NB
            pltpu.sync_copy(pred_hbm.at[pl.ds(b0 * T * K, _NB * T * K)],
                            pred_v)
            pltpu.sync_copy(obs_hbm.at[pl.ds(b0, _NB), pl.ds(TO - 1, 1)],
                            obs_v)

            def b_body(b, carry2):
                oadd = [obs_v[b, 0, pl.ds(16 * g, 16)] * cmk[g]
                        for g in range(3)]

                def t_body(t, carry3):
                    row = b * T + t
                    rbase = jnp.full((16,), row * K, dtype=jnp.int32)
                    for g in range(6):
                        v = plsc.load_gather(pred_v, [rbase + gi[g]])
                        r = v * scl[g] + bia[g]
                        if g < 3:
                            r = r + oadd[g]
                        out_v[pl.ds(row * D + 16 * g, 16)] = r
                    return carry3

                return lax.fori_loop(0, T, t_body, carry2)

            lax.fori_loop(0, _NB, b_body, 0)
            pltpu.sync_copy(out_v, out_hbm.at[pl.ds(b0 * T * D, _NB * T * D)])
            return carry

        lax.fori_loop(0, n_chunks, chunk_body, 0)

    out1 = run(idx_c, fc_c, observed_pose, pred1)
    return out1.reshape(B, T, D)


def kernel(observed_pose, pred_pose):
    return _sc_impl(observed_pose, pred_pose)

# --- scband reference (transcript-rebuilt; emitter-appended) ---
"""Pipeline reference for scband-postprocess-13030930776214 (READ-ONLY COPY).

The authoritative reference and input builder live on the scoring server;
editing this copy changes nothing except your own understanding.
"""

import jax, jax.numpy as jnp
import numpy as np

dim_used = np.array([6, 7, 8, 9, 10, 11, 12, 13, 14, 15, 16, 17, 21, 22, 23, 24, 25, 26, 27, 28, 29, 30, 31, 32, 36, 37, 38, 39, 40, 41, 42, 43, 44, 45, 46, 47, 51, 52, 53, 54, 55, 56, 57, 58, 59, 63, 64, 65, 66, 67, 68, 75, 76, 77, 78, 79, 80, 81, 82, 83, 87, 88, 89, 90, 91, 92])

def joint_to_index(x):
    return np.concatenate((x * 3, x * 3 + 1, x * 3 + 2))

joint_to_copy = np.array([0, 1, 6, 11])
index_to_copy = joint_to_index(joint_to_copy)
joint_equal = np.array([13, 19, 22, 13, 27, 30])
index_to_equal = joint_to_index(joint_equal)
joint_to_ignore = np.array([16, 20, 23, 24, 28, 31])
index_to_ignore = joint_to_index(joint_to_ignore)

mean = np.array([[[-108.0207, -357.1349, 162.4628, -60.3845, -749.3369, 54.4319, -62.5515, -800.5543, 189.4915, -72.9842, -804.0154, 254.9969, 150.332, -345.0031, 167.558, 133.2313, -745.717, 69.9487, 150.413, -782.4758, 205.3246, 159.4026, -775.569, 269.4921, -17.8942, 222.0518, -13.1888, -30.9244, 453.2491, 38.2384, -42.9791, 515.5094, 121.5481, -54.5557, 609.9525, 92.0117, 108.75, 415.4085, 26.6593, 236.89, 221.6402, 45.1059, 186.8823, 145.6833, 149.6532, 151.0743, 178.7816, 164.5888, 195.3418, 129.4365, 194.8929, -164.118, 396.0086, 24.8246, -265.7541, 195.1504, 54.709, -215.6535, 165.0968, 169.1314, -198.0947, 202.279, 171.9553, -220.7997, 158.5216, 222.7706]]])

std = np.array([[[66.3929, 119.1274, 151.6286, 112.3741, 175.5857, 208.0643, 125.001, 168.7289, 222.087, 132.8225, 168.7699, 224.09, 75.9225, 136.5678, 156.0372, 132.4222, 182.5029, 208.6887, 158.7869, 174.4053, 218.7376, 170.3442, 173.4497, 219.1369, 19.7102, 17.9596, 63.2551, 52.4272, 51.2776, 137.7591, 68.3521, 84.5895, 155.2936, 78.1808, 85.8814, 186.8668, 47.0589, 52.5975, 136.8256, 72.152, 107.0486, 169.2219, 151.7592, 199.0935, 191.9489, 155.2793, 205.1654, 185.0615, 190.2583, 245.5722, 214.5396, 44.9131, 56.8072, 131.6514, 73.948, 119.211, 158.9703, 141.729, 228.1124, 186.8918, 146.0417, 220.1406, 180.3148, 185.631, 302.1246, 223.1294]]])


def setup_inputs(seed: int = 0) -> dict:
    key = jax.random.key(seed)
    k1, k2 = jax.random.split(key)
    observed_pose = jax.random.normal(k1, (4096, 50, 96), dtype=jnp.float32)
    pred_pose = jax.random.normal(k2, (4096, 25, 66), dtype=jnp.float32)
    return {"observed_pose": observed_pose, "pred_pose": pred_pose}


def reference(observed_pose, pred_pose):
    mean_j = jnp.asarray(mean, dtype=jnp.float32)
    std_j = jnp.asarray(std, dtype=jnp.float32)
    pred = pred_pose * std_j + mean_j
    B = pred.shape[0]
    T = pred.shape[1]
    x = jnp.zeros((B, T, 96), dtype=jnp.float32)
    x = x.at[:, :, dim_used].set(pred)
    copy_vals = jnp.broadcast_to(observed_pose[:, -1:, index_to_copy], (B, T, index_to_copy.shape[0]))
    x = x.at[:, :, index_to_copy].set(copy_vals)
    x = x.at[:, :, index_to_ignore].set(x[:, :, index_to_equal])
    return x

if __name__ == "__main__":
    import jax
    _d = setup_inputs()
    print(jax.jit(kernel)(*tuple(_d.values())))

</pallas_src>

<mosaic_0001>
#map = affine_map<(d0, d1) -> (0)>
#map1 = affine_map<(d0, d1) -> (0, 0)>
#map2 = affine_map<(d0, d1) -> (0, 0, 0)>
module attributes {stable_mosaic.version = 14 : i64} {
  func.func @run(%arg0: i32, %arg1: i32, %arg2: memref<96xi32, #tpu.memory_space<hbm>>, %arg3: memref<3x96xf32, #tpu.memory_space<hbm>>, %arg4: memref<4096x50x96xf32, #tpu.memory_space<hbm>>, %arg5: memref<6758400xf32, #tpu.memory_space<hbm>>, %arg6: memref<9830400xf32, #tpu.memory_space<hbm>>, %arg7: memref<96xi32, #tpu.memory_space<vmem>>, %arg8: memref<3x96xf32, #tpu.memory_space<vmem>>, %arg9: memref<16x1x96xf32, #tpu.memory_space<vmem>>, %arg10: memref<26400xf32, #tpu.memory_space<vmem>>, %arg11: memref<38400xf32, #tpu.memory_space<vmem>>) attributes {dimension_semantics = [#tpu.dimension_semantics<core_parallel>, #tpu.dimension_semantics<subcore_parallel>], iteration_bounds = array<i64: 2, 16>, scalar_prefetch = 0 : i64, scratch_operands = 5 : i64, tpu.core_type = #tpu.core_type<sc_vector_subcore>, window_params = [{transform_indices = #map}, {transform_indices = #map1}, {transform_indices = #map2}, {transform_indices = #map}, {transform_indices = #map}]} {
    %mul3A = arith.constant 2 : i32
    %mul3A_0 = arith.muli %arg1, %mul3A : i32
    %add3A = arith.addi %mul3A_0, %arg0 : i32
    %mul3A_1 = arith.constant 128 : i32
    %mul3A_2 = arith.muli %add3A, %mul3A_1 : i32
    "tpu.region"() ({
      %run_scoped3A = tpu.sem_alloc : memref<!tpu.dma_semaphore, #tpu.memory_space<semaphore_mem>>
      tpu.enqueue_dma source(%arg2 : memref<96xi32, #tpu.memory_space<hbm>>) target(%arg7 : memref<96xi32, #tpu.memory_space<vmem>>) target_semaphore(%run_scoped3A : memref<!tpu.dma_semaphore, #tpu.memory_space<semaphore_mem>>)
      tpu.wait_dma2 semaphore(%run_scoped3A : memref<!tpu.dma_semaphore, #tpu.memory_space<semaphore_mem>>) src(%arg2 : memref<96xi32, #tpu.memory_space<hbm>>) dst(%arg7 : memref<96xi32, #tpu.memory_space<vmem>>)
      tpu.yield
    }) : () -> ()
    "tpu.region"() ({
      %run_scoped3A = tpu.sem_alloc : memref<!tpu.dma_semaphore, #tpu.memory_space<semaphore_mem>>
      tpu.enqueue_dma source(%arg3 : memref<3x96xf32, #tpu.memory_space<hbm>>) target(%arg8 : memref<3x96xf32, #tpu.memory_space<vmem>>) target_semaphore(%run_scoped3A : memref<!tpu.dma_semaphore, #tpu.memory_space<semaphore_mem>>)
      tpu.wait_dma2 semaphore(%run_scoped3A : memref<!tpu.dma_semaphore, #tpu.memory_space<semaphore_mem>>) src(%arg3 : memref<3x96xf32, #tpu.memory_space<hbm>>) dst(%arg8 : memref<3x96xf32, #tpu.memory_space<vmem>>)
      tpu.yield
    }) : () -> ()
    %get3A = arith.constant 0 : index
    %get3A_3 = tpu.vector_load %arg7[%get3A] {strides = array<i32>} : memref<96xi32, #tpu.memory_space<vmem>>, vector<16xi32>,
    %get3A_4 = arith.constant 16 : index
    %get3A_5 = tpu.vector_load %arg7[%get3A_4] {strides = array<i32>} : memref<96xi32, #tpu.memory_space<vmem>>, vector<16xi32>,
    %get3A_6 = arith.constant 32 : index
    %get3A_7 = tpu.vector_load %arg7[%get3A_6] {strides = array<i32>} : memref<96xi32, #tpu.memory_space<vmem>>, vector<16xi32>,
    %get3A_8 = arith.constant 48 : index
    %get3A_9 = tpu.vector_load %arg7[%get3A_8] {strides = array<i32>} : memref<96xi32, #tpu.memory_space<vmem>>, vector<16xi32>,
    %get3A_10 = arith.constant 64 : index
    %get3A_11 = tpu.vector_load %arg7[%get3A_10] {strides = array<i32>} : memref<96xi32, #tpu.memory_space<vmem>>, vector<16xi32>,
    %get3A_12 = arith.constant 80 : index
    %get3A_13 = tpu.vector_load %arg7[%get3A_12] {strides = array<i32>} : memref<96xi32, #tpu.memory_space<vmem>>, vector<16xi32>,
    %get3A_14 = arith.constant 0 : i32
    %get3A_15 = arith.index_cast %get3A_14 : i32 to index
    %get3A_16 = arith.constant 0 : index
    %get3A_17 = tpu.vector_load %arg8[%get3A_15, %get3A_16] {strides = array<i32>} : memref<3x96xf32, #tpu.memory_space<vmem>>, vector<16xf32>,
    %get3A_18 = arith.constant 0 : i32
    %get3A_19 = arith.index_cast %get3A_18 : i32 to index
    %get3A_20 = arith.constant 16 : index
    %get3A_21 = tpu.vector_load %arg8[%get3A_19, %get3A_20] {strides = array<i32>} : memref<3x96xf32, #tpu.memory_space<vmem>>, vector<16xf32>,
    %get3A_22 = arith.constant 0 : i32
    %get3A_23 = arith.index_cast %get3A_22 : i32 to index
    %get3A_24 = arith.constant 32 : index
    %get3A_25 = tpu.vector_load %arg8[%get3A_23, %get3A_24] {strides = array<i32>} : memref<3x96xf32, #tpu.memory_space<vmem>>, vector<16xf32>,
    %get3A_26 = arith.constant 0 : i32
    %get3A_27 = arith.index_cast %get3A_26 : i32 to index
    %get3A_28 = arith.constant 48 : index
    %get3A_29 = tpu.vector_load %arg8[%get3A_27, %get3A_28] {strides = array<i32>} : memref<3x96xf32, #tpu.memory_space<vmem>>, vector<16xf32>,
    %get3A_30 = arith.constant 0 : i32
    %get3A_31 = arith.index_cast %get3A_30 : i32 to index
    %get3A_32 = arith.constant 64 : index
    %get3A_33 = tpu.vector_load %arg8[%get3A_31, %get3A_32] {strides = array<i32>} : memref<3x96xf32, #tpu.memory_space<vmem>>, vector<16xf32>,
    %get3A_34 = arith.constant 0 : i32
    %get3A_35 = arith.index_cast %get3A_34 : i32 to index
    %get3A_36 = arith.constant 80 : index
    %get3A_37 = tpu.vector_load %arg8[%get3A_35, %get3A_36] {strides = array<i32>} : memref<3x96xf32, #tpu.memory_space<vmem>>, vector<16xf32>,
    %get3A_38 = arith.constant 1 : i32
    %get3A_39 = arith.index_cast %get3A_38 : i32 to index
    %get3A_40 = arith.constant 0 : index
    %get3A_41 = tpu.vector_load %arg8[%get3A_39, %get3A_40] {strides = array<i32>} : memref<3x96xf32, #tpu.memory_space<vmem>>, vector<16xf32>,
    %get3A_42 = arith.constant 1 : i32
    %get3A_43 = arith.index_cast %get3A_42 : i32 to index
    %get3A_44 = arith.constant 16 : index
    %get3A_45 = tpu.vector_load %arg8[%get3A_43, %get3A_44] {strides = array<i32>} : memref<3x96xf32, #tpu.memory_space<vmem>>, vector<16xf32>,
    %get3A_46 = arith.constant 1 : i32
    %get3A_47 = arith.index_cast %get3A_46 : i32 to index
    %get3A_48 = arith.constant 32 : index
    %get3A_49 = tpu.vector_load %arg8[%get3A_47, %get3A_48] {strides = array<i32>} : memref<3x96xf32, #tpu.memory_space<vmem>>, vector<16xf32>,
    %get3A_50 = arith.constant 1 : i32
    %get3A_51 = arith.index_cast %get3A_50 : i32 to index
    %get3A_52 = arith.constant 48 : index
    %get3A_53 = tpu.vector_load %arg8[%get3A_51, %get3A_52] {strides = array<i32>} : memref<3x96xf32, #tpu.memory_space<vmem>>, vector<16xf32>,
    %get3A_54 = arith.constant 1 : i32
    %get3A_55 = arith.index_cast %get3A_54 : i32 to index
    %get3A_56 = arith.constant 64 : index
    %get3A_57 = tpu.vector_load %arg8[%get3A_55, %get3A_56] {strides = array<i32>} : memref<3x96xf32, #tpu.memory_space<vmem>>, vector<16xf32>,
    %get3A_58 = arith.constant 1 : i32
    %get3A_59 = arith.index_cast %get3A_58 : i32 to index
    %get3A_60 = arith.constant 80 : index
    %get3A_61 = tpu.vector_load %arg8[%get3A_59, %get3A_60] {strides = array<i32>} : memref<3x96xf32, #tpu.memory_space<vmem>>, vector<16xf32>,
    %get3A_62 = arith.constant 2 : i32
    %get3A_63 = arith.index_cast %get3A_62 : i32 to index
    %get3A_64 = arith.constant 0 : index
    %get3A_65 = tpu.vector_load %arg8[%get3A_63, %get3A_64] {strides = array<i32>} : memref<3x96xf32, #tpu.memory_space<vmem>>, vector<16xf32>,
    %get3A_66 = arith.constant 2 : i32
    %get3A_67 = arith.index_cast %get3A_66 : i32 to index
    %get3A_68 = arith.constant 16 : index
    %get3A_69 = tpu.vector_load %arg8[%get3A_67, %get3A_68] {strides = array<i32>} : memref<3x96xf32, #tpu.memory_space<vmem>>, vector<16xf32>,
    %get3A_70 = arith.constant 2 : i32
    %get3A_71 = arith.index_cast %get3A_70 : i32 to index
    %get3A_72 = arith.constant 32 : index
    %get3A_73 = tpu.vector_load %arg8[%get3A_71, %get3A_72] {strides = array<i32>} : memref<3x96xf32, #tpu.memory_space<vmem>>, vector<16xf32>,
    %scan3A = arith.constant 0 : i32
    %scan3A_74 = arith.constant 0 : i32
    %scan3A_75 = arith.constant 8 : i32
    %scan3A_76 = arith.addi %scan3A_74, %scan3A_75 : i32
    %scan3A_77 = arith.constant 1 : i32
    scf.for %scan3A_79 = %scan3A_74 to %scan3A_76 step %scan3A_77  : i32 {
      %mul3A_80 = arith.constant 16 : i32
      %mul3A_81 = arith.muli %scan3A_79, %mul3A_80 : i32
      %add3A_82 = arith.addi %mul3A_2, %mul3A_81 : i32
      %mul3A_83 = arith.constant 25 : i32
      %mul3A_84 = arith.muli %add3A_82, %mul3A_83 : i32
      %mul3A_85 = arith.constant 66 : i32
      %mul3A_86 = arith.muli %mul3A_84, %mul3A_85 : i32
      "tpu.region"() ({
        %run_scoped3A = tpu.sem_alloc : memref<!tpu.dma_semaphore, #tpu.memory_space<semaphore_mem>>
        %dma_start3A = tpu.memref_slice %arg5[%mul3A_86] : memref<6758400xf32, #tpu.memory_space<hbm>> -> memref<26400xf32, #tpu.memory_space<hbm>>
        %dma_start3A_97 = tpu.memref_slice %arg5[%mul3A_86] : memref<6758400xf32, #tpu.memory_space<hbm>> -> memref<26400xf32, #tpu.memory_space<hbm>>
        tpu.enqueue_dma source(%dma_start3A_97 : memref<26400xf32, #tpu.memory_space<hbm>>) target(%arg10 : memref<26400xf32, #tpu.memory_space<vmem>>) target_semaphore(%run_scoped3A : memref<!tpu.dma_semaphore, #tpu.memory_space<semaphore_mem>>)
        %dma_wait3A = tpu.memref_slice %arg5[%mul3A_86] : memref<6758400xf32, #tpu.memory_space<hbm>> -> memref<26400xf32, #tpu.memory_space<hbm>>
        %dma_wait3A_98 = tpu.memref_slice %arg5[%mul3A_86] : memref<6758400xf32, #tpu.memory_space<hbm>> -> memref<26400xf32, #tpu.memory_space<hbm>>
        tpu.wait_dma2 semaphore(%run_scoped3A : memref<!tpu.dma_semaphore, #tpu.memory_space<semaphore_mem>>) src(%dma_wait3A_98 : memref<26400xf32, #tpu.memory_space<hbm>>) dst(%arg10 : memref<26400xf32, #tpu.memory_space<vmem>>)
        tpu.yield
      }) : () -> ()
      "tpu.region"() ({
        %run_scoped3A = tpu.sem_alloc : memref<!tpu.dma_semaphore, #tpu.memory_space<semaphore_mem>>
        %dma_start3A = arith.constant 49 : i32
        %dma_start3A_97 = arith.constant 0 : i32
        %dma_start3A_98 = tpu.memref_slice %arg4[%add3A_82, %dma_start3A, %dma_start3A_97] : memref<4096x50x96xf32, #tpu.memory_space<hbm>> -> memref<16x1x96xf32, #tpu.memory_space<hbm>>
        %dma_start3A_99 = arith.constant 49 : i32
        %dma_start3A_100 = arith.constant 0 : i32
        %dma_start3A_101 = tpu.memref_slice %arg4[%add3A_82, %dma_start3A_99, %dma_start3A_100] : memref<4096x50x96xf32, #tpu.memory_space<hbm>> -> memref<16x1x96xf32, #tpu.memory_space<hbm>>
        tpu.enqueue_dma source(%dma_start3A_101 : memref<16x1x96xf32, #tpu.memory_space<hbm>>) target(%arg9 : memref<16x1x96xf32, #tpu.memory_space<vmem>>) target_semaphore(%run_scoped3A : memref<!tpu.dma_semaphore, #tpu.memory_space<semaphore_mem>>)
        %dma_wait3A = arith.constant 49 : i32
        %dma_wait3A_102 = arith.constant 0 : i32
        %dma_wait3A_103 = tpu.memref_slice %arg4[%add3A_82, %dma_wait3A, %dma_wait3A_102] : memref<4096x50x96xf32, #tpu.memory_space<hbm>> -> memref<16x1x96xf32, #tpu.memory_space<hbm>>
        %dma_wait3A_104 = arith.constant 49 : i32
        %dma_wait3A_105 = arith.constant 0 : i32
        %dma_wait3A_106 = tpu.memref_slice %arg4[%add3A_82, %dma_wait3A_104, %dma_wait3A_105] : memref<4096x50x96xf32, #tpu.memory_space<hbm>> -> memref<16x1x96xf32, #tpu.memory_space<hbm>>
        tpu.wait_dma2 semaphore(%run_scoped3A : memref<!tpu.dma_semaphore, #tpu.memory_space<semaphore_mem>>) src(%dma_wait3A_106 : memref<16x1x96xf32, #tpu.memory_space<hbm>>) dst(%arg9 : memref<16x1x96xf32, #tpu.memory_space<vmem>>)
        tpu.yield
      }) : () -> ()
      %scan3A_87 = arith.constant 0 : i32
      %scan3A_88 = arith.constant 0 : i32
      %scan3A_89 = arith.constant 16 : i32
      %scan3A_90 = arith.addi %scan3A_88, %scan3A_89 : i32
      %scan3A_91 = arith.constant 1 : i32
      scf.for %scan3A_97 = %scan3A_88 to %scan3A_90 step %scan3A_91  : i32 {
        %get3A_98 = arith.constant 0 : i32
        %get3A_99 = arith.index_cast %scan3A_97 : i32 to index
        %get3A_100 = arith.index_cast %get3A_98 : i32 to index
        %get3A_101 = arith.constant 0 : index
        %get3A_102 = tpu.vector_load %arg9[%get3A_99, %get3A_100, %get3A_101] {strides = array<i32>} : memref<16x1x96xf32, #tpu.memory_space<vmem>>, vector<16xf32>,
        %mul3A_103 = arith.mulf %get3A_102, %get3A_65 : vector<16xf32>
        %get3A_104 = arith.constant 0 : i32
        %get3A_105 = arith.index_cast %scan3A_97 : i32 to index
        %get3A_106 = arith.index_cast %get3A_104 : i32 to index
        %get3A_107 = arith.constant 16 : index
        %get3A_108 = tpu.vector_load %arg9[%get3A_105, %get3A_106, %get3A_107] {strides = array<i32>} : memref<16x1x96xf32, #tpu.memory_space<vmem>>, vector<16xf32>,
        %mul3A_109 = arith.mulf %get3A_108, %get3A_69 : vector<16xf32>
        %get3A_110 = arith.constant 0 : i32
        %get3A_111 = arith.index_cast %scan3A_97 : i32 to index
        %get3A_112 = arith.index_cast %get3A_110 : i32 to index
        %get3A_113 = arith.constant 32 : index
        %get3A_114 = tpu.vector_load %arg9[%get3A_111, %get3A_112, %get3A_113] {strides = array<i32>} : memref<16x1x96xf32, #tpu.memory_space<vmem>>, vector<16xf32>,
        %mul3A_115 = arith.mulf %get3A_114, %get3A_73 : vector<16xf32>
        %scan3A_116 = arith.constant 0 : i32
        %scan3A_117 = arith.constant 25 : i32
        %scan3A_118 = arith.addi %scan3A_116, %scan3A_117 : i32
        %scan3A_119 = arith.constant 1 : i32
        scf.for %scan3A_121 = %scan3A_116 to %scan3A_118 step %scan3A_119  : i32 {
          %mul3A_122 = arith.constant 25 : i32
          %mul3A_123 = arith.muli %scan3A_97, %mul3A_122 : i32
          %add3A_124 = arith.addi %mul3A_123, %scan3A_121 : i32
          %mul3A_125 = arith.constant 66 : i32
          %mul3A_126 = arith.muli %add3A_124, %mul3A_125 : i32
          %broadcast_in_dim3A = vector.broadcast %mul3A_126 : i32 to vector<16xi32>
          %add3A_127 = arith.addi %broadcast_in_dim3A, %get3A_3 : vector<16xi32>
          %gather3A = tpu.vector_load_idx %arg10[%add3A_127] : memref<26400xf32, #tpu.memory_space<vmem>>[vector<16xi32>], vector<16xf32>,
          %mul3A_128 = arith.mulf %gather3A, %get3A_17 : vector<16xf32>
          %add3A_129 = arith.addf %mul3A_128, %get3A_41 : vector<16xf32>
          %add3A_130 = arith.addf %add3A_129, %mul3A_103 : vector<16xf32>
          %mul3A_131 = arith.constant 96 : i32
          %mul3A_132 = arith.muli %add3A_124, %mul3A_131 : i32
          %add3A_133 = arith.constant 0 : i32
          %add3A_134 = arith.addi %mul3A_132, %add3A_133 : i32
          %swap3A = arith.index_cast %add3A_134 : i32 to index
          %swap3A_135 = tpu.vector_load %arg11[%swap3A] {strides = array<i32>} : memref<38400xf32, #tpu.memory_space<vmem>>, vector<16xf32>,
          tpu.vector_store %arg11[%swap3A], %add3A_130 {strides = array<i32>} : memref<38400xf32, #tpu.memory_space<vmem>>, vector<16xf32>,
          %add3A_136 = arith.addi %broadcast_in_dim3A, %get3A_5 : vector<16xi32>
          %gather3A_137 = tpu.vector_load_idx %arg10[%add3A_136] : memref<26400xf32, #tpu.memory_space<vmem>>[vector<16xi32>], vector<16xf32>,
          %mul3A_138 = arith.mulf %gather3A_137, %get3A_21 : vector<16xf32>
          %add3A_139 = arith.addf %mul3A_138, %get3A_45 : vector<16xf32>
          %add3A_140 = arith.addf %add3A_139, %mul3A_109 : vector<16xf32>
          %mul3A_141 = arith.constant 96 : i32
          %mul3A_142 = arith.muli %add3A_124, %mul3A_141 : i32
          %add3A_143 = arith.constant 16 : i32
          %add3A_144 = arith.addi %mul3A_142, %add3A_143 : i32
          %swap3A_145 = arith.index_cast %add3A_144 : i32 to index
          %swap3A_146 = tpu.vector_load %arg11[%swap3A_145] {strides = array<i32>} : memref<38400xf32, #tpu.memory_space<vmem>>, vector<16xf32>,
          tpu.vector_store %arg11[%swap3A_145], %add3A_140 {strides = array<i32>} : memref<38400xf32, #tpu.memory_space<vmem>>, vector<16xf32>,
          %add3A_147 = arith.addi %broadcast_in_dim3A, %get3A_7 : vector<16xi32>
          %gather3A_148 = tpu.vector_load_idx %arg10[%add3A_147] : memref<26400xf32, #tpu.memory_space<vmem>>[vector<16xi32>], vector<16xf32>,
          %mul3A_149 = arith.mulf %gather3A_148, %get3A_25 : vector<16xf32>
          %add3A_150 = arith.addf %mul3A_149, %get3A_49 : vector<16xf32>
          %add3A_151 = arith.addf %add3A_150, %mul3A_115 : vector<16xf32>
          %mul3A_152 = arith.constant 96 : i32
          %mul3A_153 = arith.muli %add3A_124, %mul3A_152 : i32
          %add3A_154 = arith.constant 32 : i32
          %add3A_155 = arith.addi %mul3A_153, %add3A_154 : i32
          %swap3A_156 = arith.index_cast %add3A_155 : i32 to index
          %swap3A_157 = tpu.vector_load %arg11[%swap3A_156] {strides = array<i32>} : memref<38400xf32, #tpu.memory_space<vmem>>, vector<16xf32>,
          tpu.vector_store %arg11[%swap3A_156], %add3A_151 {strides = array<i32>} : memref<38400xf32, #tpu.memory_space<vmem>>, vector<16xf32>,
          %add3A_158 = arith.addi %broadcast_in_dim3A, %get3A_9 : vector<16xi32>
          %gather3A_159 = tpu.vector_load_idx %arg10[%add3A_158] : memref<26400xf32, #tpu.memory_space<vmem>>[vector<16xi32>], vector<16xf32>,
          %mul3A_160 = arith.mulf %gather3A_159, %get3A_29 : vector<16xf32>
          %add3A_161 = arith.addf %mul3A_160, %get3A_53 : vector<16xf32>
          %mul3A_162 = arith.constant 96 : i32
          %mul3A_163 = arith.muli %add3A_124, %mul3A_162 : i32
          %add3A_164 = arith.constant 48 : i32
          %add3A_165 = arith.addi %mul3A_163, %add3A_164 : i32
          %swap3A_166 = arith.index_cast %add3A_165 : i32 to index
          %swap3A_167 = tpu.vector_load %arg11[%swap3A_166] {strides = array<i32>} : memref<38400xf32, #tpu.memory_space<vmem>>, vector<16xf32>,
          tpu.vector_store %arg11[%swap3A_166], %add3A_161 {strides = array<i32>} : memref<38400xf32, #tpu.memory_space<vmem>>, vector<16xf32>,
          %add3A_168 = arith.addi %broadcast_in_dim3A, %get3A_11 : vector<16xi32>
          %gather3A_169 = tpu.vector_load_idx %arg10[%add3A_168] : memref<26400xf32, #tpu.memory_space<vmem>>[vector<16xi32>], vector<16xf32>,
          %mul3A_170 = arith.mulf %gather3A_169, %get3A_33 : vector<16xf32>
          %add3A_171 = arith.addf %mul3A_170, %get3A_57 : vector<16xf32>
          %mul3A_172 = arith.constant 96 : i32
          %mul3A_173 = arith.muli %add3A_124, %mul3A_172 : i32
          %add3A_174 = arith.constant 64 : i32
          %add3A_175 = arith.addi %mul3A_173, %add3A_174 : i32
          %swap3A_176 = arith.index_cast %add3A_175 : i32 to index
          %swap3A_177 = tpu.vector_load %arg11[%swap3A_176] {strides = array<i32>} : memref<38400xf32, #tpu.memory_space<vmem>>, vector<16xf32>,
          tpu.vector_store %arg11[%swap3A_176], %add3A_171 {strides = array<i32>} : memref<38400xf32, #tpu.memory_space<vmem>>, vector<16xf32>,
          %add3A_178 = arith.addi %broadcast_in_dim3A, %get3A_13 : vector<16xi32>
          %gather3A_179 = tpu.vector_load_idx %arg10[%add3A_178] : memref<26400xf32, #tpu.memory_space<vmem>>[vector<16xi32>], vector<16xf32>,
          %mul3A_180 = arith.mulf %gather3A_179, %get3A_37 : vector<16xf32>
          %add3A_181 = arith.addf %mul3A_180, %get3A_61 : vector<16xf32>
          %mul3A_182 = arith.constant 96 : i32
          %mul3A_183 = arith.muli %add3A_124, %mul3A_182 : i32
          %add3A_184 = arith.constant 80 : i32
          %add3A_185 = arith.addi %mul3A_183, %add3A_184 : i32
          %swap3A_186 = arith.index_cast %add3A_185 : i32 to index
          %swap3A_187 = tpu.vector_load %arg11[%swap3A_186] {strides = array<i32>} : memref<38400xf32, #tpu.memory_space<vmem>>, vector<16xf32>,
          tpu.vector_store %arg11[%swap3A_186], %add3A_181 {strides = array<i32>} : memref<38400xf32, #tpu.memory_space<vmem>>, vector<16xf32>,
        }
        %scan3A_120 = arith.constant 25 : i32
      }
      %scan3A_92 = arith.constant 16 : i32
      %mul3A_93 = arith.constant 25 : i32
      %mul3A_94 = arith.muli %add3A_82, %mul3A_93 : i32
      %mul3A_95 = arith.constant 96 : i32
      %mul3A_96 = arith.muli %mul3A_94, %mul3A_95 : i32
      "tpu.region"() ({
        %run_scoped3A = tpu.sem_alloc : memref<!tpu.dma_semaphore, #tpu.memory_space<semaphore_mem>>
        %dma_start3A = tpu.memref_slice %arg6[%mul3A_96] : memref<9830400xf32, #tpu.memory_space<hbm>> -> memref<38400xf32, #tpu.memory_space<hbm>>
        %dma_start3A_97 = tpu.memref_slice %arg6[%mul3A_96] : memref<9830400xf32, #tpu.memory_space<hbm>> -> memref<38400xf32, #tpu.memory_space<hbm>>
        tpu.enqueue_dma source(%arg11 : memref<38400xf32, #tpu.memory_space<vmem>>) target(%dma_start3A_97 : memref<38400xf32, #tpu.memory_space<hbm>>) target_semaphore(%run_scoped3A : memref<!tpu.dma_semaphore, #tpu.memory_space<semaphore_mem>>)
        %dma_wait3A = tpu.memref_slice %arg6[%mul3A_96] : memref<9830400xf32, #tpu.memory_space<hbm>> -> memref<38400xf32, #tpu.memory_space<hbm>>
        %dma_wait3A_98 = tpu.memref_slice %arg6[%mul3A_96] : memref<9830400xf32, #tpu.memory_space<hbm>> -> memref<38400xf32, #tpu.memory_space<hbm>>
        tpu.wait_dma2 semaphore(%run_scoped3A : memref<!tpu.dma_semaphore, #tpu.memory_space<semaphore_mem>>) src(%arg11 : memref<38400xf32, #tpu.memory_space<vmem>>) dst(%dma_wait3A_98 : memref<38400xf32, #tpu.memory_space<hbm>>)
        tpu.yield
      }) : () -> ()
    }
    %scan3A_78 = arith.constant 8 : i32
    return
  }
}

</mosaic_0001>

<sc_bundles>
// kernel: kernel.3.cloned.1.call-start
scs
__scs_entry_jumppad:
0x0: {  	(pc) =	sbr.rel $0x88, $3  }
0x1: {  	(tag) =	ssettag $0x0;
	lr =	simm.s32 $0x1  }
0x2: {  	[smem:$0x3F9F] =	sst lr;
	_ =	strace $0xD0000000  }
0x3: {  	_ = 	snop  }
0x4: {  	_ = 	snop  }
0x5: {  	_ = 	snop  }
0x6: {  	_ = 	snop  }
0x7: {  	_ = 	snop  }
__scs_overlays_trampoline_lowered:
0x8: {  	[smem:$0x3FAE] =	sst s0  }
0x9: {  	[smem:$0x3FAF] =	sst s1  }
0xa: {  	[smem:$0x3FB0] =	sst s2  }
0xb: {  	[smem:$0x3FB1] =	sst s3  }
0xc: {  	[smem:$0x3FB2] =	sst s4  }
0xd: {  	[smem:$0x3FB3] =	sst s5  }
0xe: {  	[smem:$0x3FB4] =	sst s6  }
0xf: {  	[smem:$0x3FB5] =	sst s7  }
0x10: {  	[smem:$0x3FB6] =	sst s8  }
0x11: {  	[smem:$0x3FB7] =	sst s9;
	s0 =	simm.s32 @!p0 $0x0  }
0x12: {  	s1 =	sld [smem:$0x3F9D];
	s0 =	simm.s32 @p0 $0x1  }
0x13: {  	[smem:$0x3FB8] =	sst s0;
	s0 =	simm.s32 @!p1 $0x0  }
0x14: {  	s2 =	sld [smem:$0x3F9C];
	s0 =	simm.s32 @p1 $0x1  }
0x15: {  	[smem:$0x3FB9] =	sst s0;
	s0 =	simm.s32 @!p2 $0x0  }
0x16: {  	s3 =	sld [smem:$0x3FDB];
	s0 =	simm.s32 @p2 $0x1  }
0x17: {  	s4 =	simm.s32 $0x1BF5;
	[smem:$0x3FBB] =	sst s0  }
0x18: {  	s0 =	sld [smem:$0x3F9E];
	_ =	swait.ge [sflag:s4], $0x0  }
0x19: {  	s7 =	sld [smem:$0x3F9F]  }
0x1a: {  	s8 =	sadd.s32 $0xFFFFE003, lr  }
0x1b: {  	s9 =	sadd.s32 $0xFFFFFEF7, lr;
	s5 =	simm.s32 $0xFFFFFFFF;
	p2 =	slt.u32 s8, $0xFFFFF086  }
0x1c: {  	p1 =	slt.u32 s9, $0xF7A;
	s5 =	simm.s32 @!p2 $0x0  }
0x1d: {  	s5 =	simm.s32 @p1 $0x1;
	p0 =	seq.s32 s7, s2  }
0x1e: {  	s7 =	smul.u32 @!p0 $0xF7A, s2;
	p2 =	seq.s32 @!p0 s5, $0x0  }
0x1f: {  	s9 =	smul.u32 $0xF7A, s1;
	s8 =	simm.s32 @!p0 $0x1BF5;
	p2 =	por !p2, p0  }
0x20: {  	[sflag:s8] =	ssyncset.s32 @!p0 $0xFFFFF086;
	s6 =	sadd.s32 @!p0 s3, s7;
	s7 =	simm.s32 @!p0 $0x108  }
0x21: {  	s3 =	sadd.s32 s3, s9;
	s6 =	sadd.s32 @!p0 $0x88, s6;
	s7 =	simm.s32 @p2 $0x1082  }
0x22: {  	[simem:s7], [sflag:s8] =	dma.local @!p0 [hbm:s6], $0xF7A  }
0x23: {  	s9 =	sor.u32 $0xD0000000, s2;
	s6 =	simm.s32 $0x108;
	_ =	swait.ge @!p0 [sflag:s8], $0x0  }
0x24: {  	s3 =	sadd.s32 $0x88, s3;
	s6 =	simm.s32 @!p1 $0x1082;
	[sflag:s4] =	ssyncset.s32 $0xFFFFF086  }
0x25: {  	[simem:s6], [sflag:s4] =	dma.local [hbm:s3], $0xF7A  }
0x26: {  	[smem:$0x3F9F] =	sst s1;
	(tag) =	ssettag s2;
	_ =	strace s9  }
0x27: {  	s1 =	sld [smem:$0x3FAF]  }
0x28: {  	s2 =	sld [smem:$0x3FB0]  }
0x29: {  	s4 =	sld [smem:$0x3FB2]  }
0x2a: {  	p0 =	seq.s32 s5, $0x0;
	s5 =	sld [smem:$0x3FB3]  }
0x2b: {  	s6 =	sld [smem:$0x3FB4]  }
0x2c: {  	s7 =	sld [smem:$0x3FB5]  }
0x2d: {  	s3 =	simm.s32 $0x108;
	s8 =	sld [smem:$0x3FB6]  }
0x2e: {  	s3 =	simm.s32 @!p0 $0x1082;
	s9 =	sld [smem:$0x3FB7]  }
0x2f: {  	lr =	sadd.s32 s0, s3;
	s0 =	sld [smem:$0x3FAE]  }
0x30: {  	s3 =	sld [smem:$0x3FB1]  }
0x31: {  	[smem:$0x3FBA] =	sst s10  }
0x32: {  	s10 =	sld [smem:$0x3FB8];
	_ =	sdelay $0x3  }
0x33: {  	p0 =	seq.s32 s10, $0x1;
	s10 =	sld [smem:$0x3FBA];
	_ =	sdelay $0x3  }
0x34: {  	[smem:$0x3FBA] =	sst s10  }
0x35: {  	s10 =	sld [smem:$0x3FB9];
	_ =	sdelay $0x3  }
0x36: {  	p1 =	seq.s32 s10, $0x1;
	s10 =	sld [smem:$0x3FBA];
	_ =	sdelay $0x3  }
0x37: {  	[smem:$0x3FBA] =	sst s10  }
0x38: {  	s10 =	sld [smem:$0x3FBB]  }
0x39: {  	_ = 	snop;
	(pc) =	sbr.ind lr, $3  }
0x3a: {  	_ = 	snop  }
0x3b: {  	_ = 	snop  }
0x3c: {  	p2 =	seq.s32 s10, $0x1;
	s10 =	sld [smem:$0x3FBA]  }
0x3d: {  	_ =	shalt  }
0x3e: {  	_ =	shalt  }
0x3f: {  	_ =	shalt  }
0x40: {  	_ =	shalt  }
0x41: {  	_ =	shalt  }
0x42: {  	_ =	shalt  }
0x43: {  	_ =	shalt  }
0x44: {  	_ =	shalt  }
0x45: {  	_ =	shalt  }
0x46: {  	_ =	shalt  }
0x47: {  	_ =	shalt  }
0x48: {  	_ =	shalt  }
0x49: {  	_ =	shalt  }
0x4a: {  	_ =	shalt  }
0x4b: {  	_ =	shalt  }
0x4c: {  	_ =	shalt  }
0x4d: {  	_ =	shalt  }
0x4e: {  	_ =	shalt  }
0x4f: {  	_ =	shalt  }
0x50: {  	_ =	shalt  }
0x51: {  	_ =	shalt  }
0x52: {  	_ =	shalt  }
0x53: {  	_ =	shalt  }
0x54: {  	_ =	shalt  }
0x55: {  	_ =	shalt  }
0x56: {  	_ =	shalt  }
0x57: {  	_ =	shalt  }
0x58: {  	_ =	shalt  }
0x59: {  	_ =	shalt  }
0x5a: {  	_ =	shalt  }
0x5b: {  	_ =	shalt  }
0x5c: {  	_ =	shalt  }
0x5d: {  	_ =	shalt  }
0x5e: {  	_ =	shalt  }
0x5f: {  	_ =	shalt  }
0x60: {  	_ =	shalt  }
0x61: {  	_ =	shalt  }
0x62: {  	_ =	shalt  }
0x63: {  	_ =	shalt  }
0x64: {  	_ =	shalt  }
0x65: {  	_ =	shalt  }
0x66: {  	_ =	shalt  }
0x67: {  	_ =	shalt  }
0x68: {  	_ =	shalt  }
0x69: {  	_ =	shalt  }
0x6a: {  	_ =	shalt  }
0x6b: {  	_ =	shalt  }
0x6c: {  	_ =	shalt  }
0x6d: {  	_ =	shalt  }
0x6e: {  	_ =	shalt  }
0x6f: {  	_ =	shalt  }
0x70: {  	_ =	shalt  }
0x71: {  	_ =	shalt  }
0x72: {  	_ =	shalt  }
0x73: {  	_ =	shalt  }
0x74: {  	_ =	shalt  }
0x75: {  	_ =	shalt  }
0x76: {  	_ =	shalt  }
0x77: {  	_ =	shalt  }
0x78: {  	_ =	shalt  }
0x79: {  	_ =	shalt  }
0x7a: {  	_ =	shalt  }
0x7b: {  	_ =	shalt  }
0x7c: {  	_ =	shalt  }
0x7d: {  	_ =	shalt  }
0x7e: {  	_ =	shalt  }
0x7f: {  	_ =	shalt  }
0x80: {  	_ =	shalt  }
0x81: {  	_ =	shalt  }
0x82: {  	_ =	shalt  }
0x83: {  	_ =	shalt  }
0x84: {  	_ =	shalt  }
0x85: {  	_ =	shalt  }
0x86: {  	_ =	shalt  }
0x87: {  	_ =	shalt  }
.Lfunc_end0:
.L_simem_size_0:
called_computation.1_lowered:
.L_overlay_start_0:
0x88: {  	s2 =	sld [smem:$0x3FD9]  }
0x89: {  	s3 =	sld [smem:$0x3FFE];
	_ =	sdelay $0x1  }
0x8a: {  	s1 =	srdreg.scid  }
0x8b: {  	s0 =	sand.u32 $0x1, s1  }
0x8c: {  	s17 =	sshll.u32 s0, $0xA;
	s2 =	sadd.s32 s3, s2  }
0x8d: {  	s2 =	sadd.s32 s2, s17  }
0x8e: {  	[smem:$0x3FC6] =	sst s2  }
0x8f: {  	_ = 	snop  }
0x90: {  	s2 =	sld [smem:$0x3FD0];
	(tm) =	ssettm $0x1  }
0x91: {  	s18 =	sld [smem:$0x3FFB];
	_ =	sdelay $0x3  }
0x92: {  	_ =	strace s18  }
0x93: {  	s3 =	sld [smem:$0x3FFC];
	_ =	sdelay $0x3  }
0x94: {  	_ =	strace s3  }
0x95: {  	s3 =	sld [smem:$0x3FFD];
	_ =	sdelay $0x3  }
0x96: {  	_ =	strace s3  }
0x97: {  	_ =	strace $0x8FFFFFFF  }
0x98: {  	s19 =	sld [smem:$0x3FDB];
	_ =	sdelay $0x1  }
0x99: {  	s4 =	simm.s32 $_scs_section_size  }
0x9a: {  	s5 =	simm.s32 $_size__tile_overlayer_lowered;
	s6 =	simm.s32 $_tile_overlayer_lowered  }
0x9b: {  	s22 =	simm.s32 $0x1BFF;
	s21 =	sshll.u32 s6, $0x1;
	s3 =	sadd.s32 s4, s19  }
0x9c: {  	s7 =	simm.s32 $0x0;
	s20 =	sshll.u32 s5, $0x1;
	s5 =	sadd.s32 s21, s3  }
0x9d: {  	[timem:s7], [sflag:s22] =	dma.local [hbm:s5], s20  }
0x9e: {  	_ =	swait.ge [sflag:s22], s20  }
0x9f: {  	s4 =	ssub.s32 $0x0, s20;
	[sflag:s22] =	ssyncset.done $0x0  }
0xa0: {  	[sflag:s22] =	ssyncadd.s32 s4;
	_ =	sdelay $0x1  }
0xa1: {  	s23 =	simm.s32 $0x1B8B  }
0xa2: {  	_ =	swait.ge [sflag:s23], $0x1  }
0xa3: {  	[sflag:s23] =	ssyncset.done $0x0  }
0xa4: {  	s25 =	simm.s32 $0x1B8E;
	s24 =	sld [smem:$0x3FFE];
	[sflag:s23] =	ssyncadd.s32 $0xFFFFFFFF  }
0xa5: {  	s26 =	simm.s32 $execute0_lowered;
	[smem:$0x3FD2] =	sst s25  }
0xa6: {  	s5 =	sshll.u32 s26, $0x1;
	_ =	strace $0x80000046;
	[dreg:$0x1] =	wrdreg $0xFFFFFFFF  }
0xa7: {  	s28 =	simm.s32 $_size_execute0_lowered;
	s3 =	sadd.s32 s3, s5;
	[dreg:$0x0] =	wrdreg $0x0  }
0xa8: {  	s5 =	sshll.u32 s28, $0x1;
	[dreg:$0x2] =	wrdreg s3  }
0xa9: {  	[dreg:$0x3] =	wrdreg s5  }
0xaa: {  	[dreg:$0x4] =	wrdreg $0xC0  }
0xab: {  	_ =	task [dreg:s7], $0x5FFFF  }
0xac: {  	[dreg:$0x1] =	wrdreg $0xFFFFFFFF  }
0xad: {  	[dreg:$0x0] =	wrdreg $0x60  }
0xae: {  	[dreg:$0x2] =	wrdreg s24  }
0xaf: {  	[dreg:$0x3] =	wrdreg s2  }
0xb0: {  	[dreg:$0x4] =	wrdreg $0x9  }
0xb1: {  	_ =	task.clear_ibuf [dreg:s7], $0x5FFFF;
	_ =	strace $0x90000046  }
0xb2: {  	s29 =	simm.s32 $0x9;
	_ =	strace $0x80000048  }
0xb3: {  	_ =	swait.ge [sflag:s29], $0x1  }
0xb4: {  	[sflag:s29] =	ssyncadd.s32 $0xFFFFFFFF  }
0xb5: {  	_ =	strace $0x90000048  }
0xb6: {  	_ =	sfence  }
0xb7: {  	s30 =	sld [smem:$0x0];
	_ =	sdelay $0x2  }
0xb8: {  	s31 =	sshll.u32 s1, $0xD;
	s1 =	sshrl.u32 s1, $0x2  }
0xb9: {  	s3 =	sand.u32 $0x4000, s31;
	s1 =	sadd.s32 s1, s30  }
0xba: {  	s0 =	sor.u32 s3, s0;
	s1 =	sshll.u32 s1, $0x11  }
0xbb: {  	s0 =	sor.u32 s1, s0  }
0xbc: {  	s0 =	sadd.s32 $0x8F2B, s0  }
0xbd: {  	[sflag:s0] =	ssyncadd.remote.s32 $0x1  }
0xbe: {  	_ =	sfence.sel $0xFFFF  }
0xbf: {  	[dreg:$0x0] =	wrdreg $0xFFFFFFFF;
	(pc) =	sbr.abs _section_cstart, $3  }
0xc0: {  	[dreg:$0x1] =	wrdreg $0xFFFFFFFF  }
0xc1: {  	_ =	task.clear_ibuf [dreg:s7], $0x2FFFF;
	_ =	strace $0x9FFFFFFF  }
0xc2: {  	(tm) =	ssettm $0x7FFFFFFF  }
0xc3: {  	_ =	shalt  }
tec
execute0_lowered:
.L_overlay_start_1:
0x0: {  	(tag) =	ssettag $0x1  }
0x1: {  	s8 =	rddreg [dreg:$0x0]  }
0x2: {  	s1 =	rddreg [dreg:$0x1]  }
0x3: {  	s0 =	rddreg [dreg:$0x2]  }
0x4: {  	s2 =	simm.s32 $0x0;
	s3 =	srdreg.scid;
	s12 =	simm.s32 $0xA80  }
0x5: {  	s13 =	simm.s32 $0x1C00;
	s14 =	simm.s32 $0x280;
	s15 =	simm.s32 $0x7200  }
0x6: {  	s16 =	simm.s32 $0x0;
	[smem:$0x7FF] =	sst s2;
	s4 =	sadd.s32 $0xE00, s8  }
0x7: {  	s6 =	sand.u32 $0x1, s3;
	s5 =	sadd.s32 $0xC00, s8;
	s3 =	stileid.u32  }
0x8: {  	_ =	strace $0x80000047;
	s7 =	ssub.s32 $0x2, s6;
	s10 =	sshll.u32 s3, $0x8  }
0x9: {  	s11 =	sshll.u32 s6, $0x7;
	s6 =	sadd.s32 $0x200C00, s8;
	s9 =	sshrl.u32 s7, $0x1  }
0xa: {  	s8 =	sadd.s32 $0x2CF310, s8;
	s9 =	ssub.s32 s7, s9;
	s7 =	sor.u32 s11, s10  }
0xb: {  	s10 =	simm.s32 $0x1;
	s11 =	simm.s32 $0x80;
	s9 =	smax.u32 s9, $0x1  }
.LBB2_1:
0xc: {  	[tilespmem:s2], [sflag:$0x1] =	stream.linear.gather [hbm4b:s4+s2], $0x80, $0x38;
	[tilespmem:$0x10800] =	vst v63  }
0xd: {  	_ =	swait.ge [sflag:s10], $0x80  }
0xe: {  	[sflag:s10] =	ssyncset.done $0x0  }
0xf: {  	[sflag:s10] =	ssyncadd.s32 $0xFFFFFF80  }
0x10: {  	[tilespmem:s11], [sflag:$0x1] =	stream.linear.gather [hbm4b:s5+s2], $0x180, $0x38;
	[tilespmem:$0x10800] =	vst v63  }
0x11: {  	_ =	swait.ge [sflag:s10], $0x180  }
0x12: {  	[sflag:s10] =	ssyncset.done $0x0  }
0x13: {  	[sflag:s10] =	ssyncadd.s32 $0xFFFFFE80  }
0x14: {  	v0 =	vld [tilespmem:$0x0]  }
0x15: {  	v1 =	vld [tilespmem:$0x10]  }
0x16: {  	v2 =	vld [tilespmem:$0x20]  }
0x17: {  	v3 =	vld [tilespmem:$0x30]  }
0x18: {  	v4 =	vld [tilespmem:$0x40]  }
0x19: {  	v5 =	vld [tilespmem:$0x50]  }
0x1a: {  	v6 =	vld [tilespmem:$0x80]  }
0x1b: {  	v7 =	vld [tilespmem:$0x90]  }
0x1c: {  	v8 =	vld [tilespmem:$0xA0]  }
0x1d: {  	v9 =	vld [tilespmem:$0xB0]  }
0x1e: {  	v10 =	vld [tilespmem:$0xC0]  }
0x1f: {  	v11 =	vld [tilespmem:$0xD0]  }
0x20: {  	v12 =	vld [tilespmem:$0x100]  }
0x21: {  	v13 =	vld [tilespmem:$0x110]  }
0x22: {  	v14 =	vld [tilespmem:$0x120]  }
0x23: {  	v15 =	vld [tilespmem:$0x130]  }
0x24: {  	v16 =	vld [tilespmem:$0x140]  }
0x25: {  	v17 =	vld [tilespmem:$0x150]  }
0x26: {  	v18 =	vld [tilespmem:$0x180]  }
0x27: {  	v19 =	vld [tilespmem:$0x190]  }
0x28: {  	s17 =	simm.s32 $0x0;
	v20 =	vld [tilespmem:$0x1A0]  }
.LBB2_2:
0x29: {  	s18 =	sshll.u32 s17, $0x4  }
0x2a: {  	s18 =	sadd.s32 s7, s18  }
0x2b: {  	s19 =	smul.u32 $0x672, s18;
	_ =	sdelay $0x1  }
0x2c: {  	s19 =	sshrl.u32 s19, $0x3  }
0x2d: {  	s20 =	sadd.s32 s6, s19;
	s19 =	simm.s32 $0x0  }
0x2e: {  	[tilespmem:s12], [sflag:$0x1] =	stream.linear.gather [hbm4b:s20+s19], $0x6720, $0x38;
	[tilespmem:$0x10800] =	vst v63  }
0x2f: {  	s31 =	smul.u32 $0x380, s18;
	_ =	swait.ge [sflag:s10], $0x6720  }
0x30: {  	[sflag:s10] =	ssyncset.done $0x0  }
0x31: {  	s20 =	sadd.s32 s31, s8;
	[sflag:s10] =	ssyncadd.s32 $0xFFFF98E0  }
0x32: {  	[tilespmem:s14], [sflag:$0x1] =	stream.strided.gather [hbm4b:s20+s11], $0x800, s13, s11, $0x38;
	[tilespmem:$0x10800] =	vst v63  }
0x33: {  	_ =	swait.ge [sflag:s10], $0x800  }
0x34: {  	[sflag:s10] =	ssyncset.done $0x0  }
0x35: {  	s21 =	simm.s32 $0x0;
	s20 =	simm.s32 $0x7230;
	[sflag:s10] =	ssyncadd.s32 $0xFFFFF800  }
.LBB2_3:
0x36: {  	s22 =	sadd.s32 $0x0, s19  }
0x37: {  	v21 =	vadd.s32 s22, v0;
	_ =	sdelay $0x4  }
0x38: {  	s23 =	sshll.u32 s21, $0x7;
	v21 =	vld.idx.msk [tilespmem:v21+s12+$0x0], $0xffff  }
0x39: {  	s23 =	sand.u32 $0x3FFFFF80, s23  }
0x3a: {  	v22 =	vld [tilespmem:s23+$0x280];
	_ =	sdelay $0x2  }
0x3b: {  	v23 =	vmul.f32 v21, v6;
	_ =	sdelay $0x1  }
0x3c: {  	v21 =	vmul.f32 v22, v18;
	v22 =	vadd.f32 v23, v12;
	v23 =	vadd.s32 s22, v1;
	_ =	sdelay $0x1  }
0x3d: {  	v22 =	vadd.f32 v22, v21  }
0x3e: {  	v24 =	vld [tilespmem:s23+$0x290]  }
0x3f: {  	v25 =	vld [tilespmem:s23+$0x2A0];
	[tilespmem:s20+$0xFFFFFFD0] =	vst v22  }
0x40: {  	v22 =	vld.idx.msk [tilespmem:v23+s12+$0x0], $0xffff;
	_ =	sdelay $0x4  }
0x41: {  	v23 =	vmul.f32 v22, v7;
	_ =	sdelay $0x1  }
0x42: {  	v22 =	vmul.f32 v24, v19;
	v24 =	vadd.s32 s22, v2;
	v23 =	vadd.f32 v23, v13;
	_ =	sdelay $0x1  }
0x43: {  	v23 =	vadd.f32 v23, v22;
	_ =	sdelay $0x1  }
0x44: {  	[tilespmem:s20+$0xFFFFFFE0] =	vst v23  }
0x45: {  	v23 =	vld.idx.msk [tilespmem:v24+s12+$0x0], $0xffff;
	_ =	sdelay $0x4  }
0x46: {  	v24 =	vmul.f32 v23, v8;
	_ =	sdelay $0x1  }
0x47: {  	v23 =	vmul.f32 v25, v20;
	v25 =	vadd.s32 s22, v3;
	v24 =	vadd.f32 v24, v14;
	_ =	sdelay $0x1  }
0x48: {  	v24 =	vadd.f32 v24, v23;
	_ =	sdelay $0x1  }
0x49: {  	[tilespmem:s20+$0xFFFFFFF0] =	vst v24  }
0x4a: {  	v24 =	vld.idx.msk [tilespmem:v25+s12+$0x0], $0xffff;
	_ =	sdelay $0x4  }
0x4b: {  	v25 =	vadd.s32 s22, v4;
	v24 =	vmul.f32 v24, v9;
	_ =	sdelay $0x1  }
0x4c: {  	v24 =	vadd.f32 v24, v15;
	_ =	sdelay $0x1  }
0x4d: {  	[tilespmem:s20+$0x0] =	vst v24  }
0x4e: {  	v24 =	vld.idx.msk [tilespmem:v25+s12+$0x0], $0xffff;
	_ =	sdelay $0x4  }
0x4f: {  	v25 =	vadd.s32 s22, v5;
	v24 =	vmul.f32 v24, v10;
	_ =	sdelay $0x1  }
0x50: {  	v24 =	vadd.f32 v24, v16;
	_ =	sdelay $0x1  }
0x51: {  	[tilespmem:s20+$0x10] =	vst v24  }
0x52: {  	v24 =	vld.idx.msk [tilespmem:v25+s12+$0x0], $0xffff;
	_ =	sdelay $0x3  }
0x53: {  	s24 =	simm.s32 $0x84;
	s23 =	smov.u32 s20;
	s22 =	sadd.s32 $0x42, s19  }
.LBB2_4:
0x54: {  	p0 =	sne.s32 s24, $0x630;
	v25 =	vadd.s32 s22, v0;
	v24 =	vmul.f32 v24, v11;
	_ =	sdelay $0x1  }
0x55: {  	v24 =	vadd.f32 v24, v17;
	_ =	sdelay $0x1  }
0x56: {  	[tilespmem:s23+$0x20] =	vst v24  }
0x57: {  	v24 =	vld.idx.msk [tilespmem:v25+s12+$0x0], $0xffff;
	_ =	sdelay $0x5  }
0x58: {  	v24 =	vmul.f32 v24, v6;
	_ =	sdelay $0x1  }
0x59: {  	v25 =	vadd.s32 s22, v1;
	v24 =	vadd.f32 v24, v12;
	_ =	sdelay $0x1  }
0x5a: {  	v24 =	vadd.f32 v24, v21  }
0x5b: {  	s23 =	sadd.s32 $0x60, s23  }
0x5c: {  	[tilespmem:s23+$0xFFFFFFD0] =	vst v24  }
0x5d: {  	v24 =	vld.idx.msk [tilespmem:v25+s12+$0x0], $0xffff;
	_ =	sdelay $0x5  }
0x5e: {  	v24 =	vmul.f32 v24, v7;
	_ =	sdelay $0x1  }
0x5f: {  	v25 =	vadd.s32 s22, v2;
	v24 =	vadd.f32 v24, v13;
	_ =	sdelay $0x1  }
0x60: {  	v24 =	vadd.f32 v24, v22;
	_ =	sdelay $0x1  }
0x61: {  	[tilespmem:s23+$0xFFFFFFE0] =	vst v24  }
0x62: {  	v24 =	vld.idx.msk [tilespmem:v25+s12+$0x0], $0xffff;
	_ =	sdelay $0x5  }
0x63: {  	v24 =	vmul.f32 v24, v8;
	_ =	sdelay $0x1  }
0x64: {  	v25 =	vadd.s32 s22, v3;
	v24 =	vadd.f32 v24, v14;
	_ =	sdelay $0x1  }
0x65: {  	v24 =	vadd.f32 v24, v23;
	_ =	sdelay $0x1  }
0x66: {  	[tilespmem:s23+$0xFFFFFFF0] =	vst v24  }
0x67: {  	v24 =	vld.idx.msk [tilespmem:v25+s12+$0x0], $0xffff;
	_ =	sdelay $0x5  }
0x68: {  	v25 =	vadd.s32 s22, v4;
	v24 =	vmul.f32 v24, v9;
	_ =	sdelay $0x1  }
0x69: {  	v24 =	vadd.f32 v24, v15;
	_ =	sdelay $0x1  }
0x6a: {  	[tilespmem:s23+$0x0] =	vst v24  }
0x6b: {  	v24 =	vld.idx.msk [tilespmem:v25+s12+$0x0], $0xffff;
	_ =	sdelay $0x5  }
0x6c: {  	v25 =	vadd.s32 s22, v5;
	v24 =	vmul.f32 v24, v10;
	_ =	sdelay $0x1  }
0x6d: {  	v24 =	vadd.f32 v24, v16;
	_ =	sdelay $0x1  }
0x6e: {  	[tilespmem:s23+$0x10] =	vst v24  }
0x6f: {  	v24 =	vld.idx.msk [tilespmem:v25+s12+$0x0], $0xffff  }
.Ltmp0:
0x70: {  	(pc) =	sbr.rel @p0 .LBB2_4-.Ltmp0, $2  }
0x71: {  	_ =	sdelay $0x2  }
0x72: {  	s22 =	sadd.s32 s24, s19;
	s24 =	sadd.s32 $0x42, s24  }
0x73: {  	v25 =	vadd.s32 s22, v0;
	v24 =	vmul.f32 v24, v11;
	_ =	sdelay $0x1  }
0x74: {  	v24 =	vadd.f32 v24, v17;
	_ =	sdelay $0x1  }
0x75: {  	[tilespmem:s23+$0x20] =	vst v24  }
0x76: {  	v24 =	vld.idx.msk [tilespmem:v25+s12+$0x0], $0xffff;
	_ =	sdelay $0x4  }
0x77: {  	v24 =	vmul.f32 v24, v6;
	_ =	sdelay $0x1  }
0x78: {  	v62 =	vadd.s32 s22, v1;
	v24 =	vadd.f32 v24, v12;
	_ =	sdelay $0x1  }
0x79: {  	v21 =	vadd.f32 v24, v21  }
0x7a: {  	s31 =	sadd.s32 $0x60, s23  }
0x7b: {  	[tilespmem:s31+$0xFFFFFFD0] =	vst v21  }
0x7c: {  	v21 =	vld.idx.msk [tilespmem:v62+s12+$0x0], $0xffff;
	_ =	sdelay $0x4  }
0x7d: {  	v21 =	vmul.f32 v21, v7;
	_ =	sdelay $0x1  }
0x7e: {  	v63 =	vadd.s32 s22, v2;
	v21 =	vadd.f32 v21, v13;
	_ =	sdelay $0x1  }
0x7f: {  	v21 =	vadd.f32 v21, v22;
	_ =	sdelay $0x1  }
0x80: {  	[tilespmem:s31+$0xFFFFFFE0] =	vst v21  }
0x81: {  	v21 =	vld.idx.msk [tilespmem:v63+s12+$0x0], $0xffff;
	_ =	sdelay $0x4  }
0x82: {  	v21 =	vmul.f32 v21, v8;
	_ =	sdelay $0x1  }
0x83: {  	v22 =	vadd.s32 s22, v3;
	v21 =	vadd.f32 v21, v14;
	_ =	sdelay $0x1  }
0x84: {  	v21 =	vadd.f32 v21, v23;
	_ =	sdelay $0x1  }
0x85: {  	[tilespmem:s31+$0xFFFFFFF0] =	vst v21  }
0x86: {  	v21 =	vld.idx.msk [tilespmem:v22+s12+$0x0], $0xffff;
	_ =	sdelay $0x4  }
0x87: {  	v22 =	vadd.s32 s22, v4;
	v21 =	vmul.f32 v21, v9;
	_ =	sdelay $0x1  }
0x88: {  	v21 =	vadd.f32 v21, v15;
	_ =	sdelay $0x1  }
0x89: {  	[tilespmem:s31+$0x0] =	vst v21  }
0x8a: {  	v21 =	vld.idx.msk [tilespmem:v22+s12+$0x0], $0xffff;
	_ =	sdelay $0x4  }
0x8b: {  	v22 =	vadd.s32 s22, v5;
	v21 =	vmul.f32 v21, v10;
	_ =	sdelay $0x1  }
0x8c: {  	v21 =	vadd.f32 v21, v16;
	_ =	sdelay $0x1  }
0x8d: {  	[tilespmem:s31+$0x10] =	vst v21  }
0x8e: {  	v21 =	vld.idx.msk [tilespmem:v22+s12+$0x0], $0xffff;
	_ =	sdelay $0x2  }
0x8f: {  	s21 =	sadd.s32 $0x1, s21  }
0x90: {  	p0 =	sne.s32 s21, $0x10  }
.Ltmp1:
0x91: {  	v21 =	vmul.f32 v21, v11;
	(pc) =	sbr.rel @p0 .LBB2_3-.Ltmp1, $3  }
0x92: {  	_ = 	snop  }
0x93: {  	v21 =	vadd.f32 v21, v17;
	_ =	sdelay $0x1  }
0x94: {  	s19 =	sadd.s32 $0x672, s19;
	s20 =	sadd.s32 $0x960, s20;
	[tilespmem:s31+$0x20] =	vst v21  }
0x95: {  	s18 =	smul.u32 $0x12C, s18;
	s17 =	sadd.s32 $0x1, s17  }
0x96: {  	p0 =	sne.s32 s17, $0x8  }
.Ltmp2:
0x97: {  	s18 =	sadd.s32 s1, s18;
	(pc) =	sbr.rel @p0 .LBB2_2-.Ltmp2, $4  }
0x98: {  	[hbm4b:s18+s2] =	stream.linear.scatter [tilespmem:s15], [sflag:$0x1], $0x9600, $0x38;
	[tilespmem:$0x10800] =	vst v63  }
0x99: {  	_ =	swait.ge [sflag:s10], $0x9600  }
0x9a: {  	[sflag:s10] =	ssyncset.done $0x0  }
0x9b: {  	[sflag:s10] =	ssyncadd.s32 $0xFFFF6A00  }
0x9c: {  	s16 =	sadd.s32 $0x1, s16  }
0x9d: {  	p0 =	sne.s32 s16, s9  }
.Ltmp3:
0x9e: {  	_ = 	snop;
	(pc) =	sbr.rel @p0 .LBB2_1-.Ltmp3, $1  }
0x9f: {  	_ =	sdelay $0x3  }
0xa0: {  	_ =	sfence.sel $0x180000  }
0xa1: {  	[bflag:$0x0] =	sbarrier.arrive $0xFFFF  }
0xa2: {  	p0 =	sne.s32 s3, $0x0;
	_ =	strace $0x90000047  }
0xa3: {  	s0 =	sadd.s32 @!p0 $0x100000, s0;
	[bflag:$0x2] =	sbarrier.arrive $0xFFFF  }
0xa4: {  	[sflag:s0] =	ssyncadd.tile.s32 @!p0 $0x1;
	_ =	shalt  }
.Lfunc_end2:
_tile_overlayer_lowered:
.L_overlay_start_2:
0xa5: {  	(tag) =	ssettag $0x2  }
0xa6: {  	s0 =	rddreg [dreg:$0x0];
	s2 =	stileid.u32  }
0xa7: {  	s1 =	rddreg [dreg:$0x1];
	p0 =	sne.s32 s2, $0x0  }
0xa8: {  	s3 =	rddreg [dreg:$0x2];
	[bflag:$0x3] =	sbarrier.arrive $0xFFFF;
	s2 =	simm.s32 @!p0 $0x1C01  }
0xa9: {  	[timem:s3], [sflag:s2] =	dma.local @!p0 [hbm:s0], s1  }
0xaa: {  	s0 =	simm.s32 @!p0 $0x1  }
0xab: {  	_ =	swait.ge @!p0 [sflag:s0], s1  }
0xac: {  	s1 =	ssub.s32 @!p0 $0x0, s1;
	[sflag:s0] =	ssyncset.done @!p0 $0x0  }
0xad: {  	[sflag:s0] =	ssyncadd.s32 @!p0 s1  }
0xae: {  	[bflag:$0x3] =	sbarrier.arrive $0xFFFF  }
0xaf: {  	_ =	shalt  }

// kernel: sparse-core-data-format-call.cloned.1.call-start
scs
called_computation_lowered:
.L_overlay_start_0:
0x0: {  	s2 =	sld [smem:$0x3FD9]  }
0x1: {  	s3 =	sld [smem:$0x3FFE];
	_ =	sdelay $0x1  }
0x2: {  	s1 =	srdreg.scid  }
0x3: {  	s0 =	sand.u32 $0x1, s1  }
0x4: {  	s18 =	sshll.u32 s0, $0xA;
	s2 =	sadd.s32 s3, s2  }
0x5: {  	s2 =	sadd.s32 s2, s18  }
0x6: {  	[smem:$0x3FC6] =	sst s2  }
0x7: {  	_ = 	snop  }
0x8: {  	s2 =	sld [smem:$0x3FD0];
	(tm) =	ssettm $0x1  }
0x9: {  	s19 =	sld [smem:$0x3FFB];
	_ =	sdelay $0x3  }
0xa: {  	_ =	strace s19  }
0xb: {  	s3 =	sld [smem:$0x3FFC];
	_ =	sdelay $0x3  }
0xc: {  	_ =	strace s3  }
0xd: {  	s3 =	sld [smem:$0x3FFD];
	_ =	sdelay $0x3  }
0xe: {  	_ =	strace s3  }
0xf: {  	_ =	strace $0x8FFFFFFF  }
0x10: {  	s20 =	sld [smem:$0x3FDB];
	_ =	sdelay $0x1  }
0x11: {  	s4 =	simm.s32 $_scs_section_size  }
0x12: {  	s5 =	simm.s32 $_size__tile_overlayer_lowered;
	s6 =	simm.s32 $_tile_overlayer_lowered  }
0x13: {  	s23 =	simm.s32 $0x1BFF;
	s22 =	sshll.u32 s6, $0x1;
	s3 =	sadd.s32 s4, s20  }
0x14: {  	s7 =	simm.s32 $0x0;
	s21 =	sshll.u32 s5, $0x1;
	s5 =	sadd.s32 s22, s3  }
0x15: {  	[timem:s7], [sflag:s23] =	dma.local [hbm:s5], s21  }
0x16: {  	_ =	swait.ge [sflag:s23], s21  }
0x17: {  	s4 =	ssub.s32 $0x0, s21;
	[sflag:s23] =	ssyncset.done $0x0  }
0x18: {  	[sflag:s23] =	ssyncadd.s32 s4;
	_ =	sdelay $0x1  }
0x19: {  	s24 =	simm.s32 $0x1B8B  }
0x1a: {  	_ =	swait.ge [sflag:s24], $0x1  }
0x1b: {  	[sflag:s24] =	ssyncset.done $0x0  }
0x1c: {  	s26 =	simm.s32 $0x1B8E;
	s25 =	sld [smem:$0x3FFE];
	[sflag:s24] =	ssyncadd.s32 $0xFFFFFFFF  }
0x1d: {  	s27 =	simm.s32 $execute0_lowered;
	[smem:$0x3FD2] =	sst s26  }
0x1e: {  	s5 =	sshll.u32 s27, $0x1;
	_ =	strace $0x80000049;
	[dreg:$0x1] =	wrdreg $0xFFFFFFFF  }
0x1f: {  	s28 =	simm.s32 $_size_execute0_lowered;
	s3 =	sadd.s32 s3, s5;
	[dreg:$0x0] =	wrdreg $0x0  }
0x20: {  	s5 =	sshll.u32 s28, $0x1;
	[dreg:$0x2] =	wrdreg s3  }
0x21: {  	[dreg:$0x3] =	wrdreg s5  }
0x22: {  	[dreg:$0x4] =	wrdreg $0xC0  }
0x23: {  	_ =	task [dreg:s7], $0x5FFFF  }
0x24: {  	[dreg:$0x1] =	wrdreg $0xFFFFFFFF  }
0x25: {  	[dreg:$0x0] =	wrdreg $0x60  }
0x26: {  	[dreg:$0x2] =	wrdreg s25  }
0x27: {  	[dreg:$0x3] =	wrdreg s2  }
0x28: {  	[dreg:$0x4] =	wrdreg $0x9  }
0x29: {  	_ =	task.clear_ibuf [dreg:s7], $0x5FFFF;
	_ =	strace $0x90000049  }
0x2a: {  	s29 =	simm.s32 $0x9;
	_ =	strace $0x8000004B  }
0x2b: {  	_ =	swait.ge [sflag:s29], $0x1  }
0x2c: {  	[sflag:s29] =	ssyncadd.s32 $0xFFFFFFFF  }
0x2d: {  	_ =	strace $0x9000004B  }
0x2e: {  	_ =	sfence  }
0x2f: {  	s30 =	sld [smem:$0x0];
	_ =	sdelay $0x2  }
0x30: {  	s31 =	sshll.u32 s1, $0xD;
	s1 =	sshrl.u32 s1, $0x2  }
0x31: {  	s3 =	sand.u32 $0x4000, s31;
	s1 =	sadd.s32 s1, s30  }
0x32: {  	s0 =	sor.u32 s3, s0;
	s1 =	sshll.u32 s1, $0x11  }
0x33: {  	s0 =	sor.u32 s1, s0  }
0x34: {  	s0 =	sadd.s32 $0x8F2B, s0  }
0x35: {  	[sflag:s0] =	ssyncadd.remote.s32 $0x1  }
0x36: {  	_ =	sfence.sel $0xFFFF  }
0x37: {  	[dreg:$0x0] =	wrdreg $0xFFFFFFFF;
	(pc) =	sbr.abs _section_cstart, $3  }
0x38: {  	[dreg:$0x1] =	wrdreg $0xFFFFFFFF  }
0x39: {  	_ =	task.clear_ibuf [dreg:s7], $0x2FFFF;
	_ =	strace $0x9FFFFFFF  }
0x3a: {  	(tm) =	ssettm $0x7FFFFFFF  }
0x3b: {  	_ =	shalt  }
tec
execute0_lowered:
.L_overlay_start_1:
0x0: {  	(tag) =	ssettag $0x1  }
0x1: {  	s0 =	srdreg.scid  }
0x2: {  	s1 =	sshll.u32 s0, $0x4  }
0x3: {  	s6 =	rddreg [dreg:$0x0];
	s0 =	stileid.u32;
	s1 =	sand.u32 $0x10, s1  }
0x4: {  	s3 =	rddreg [dreg:$0x1];
	s1 =	sor.u32 s0, s1  }
0x5: {  	s5 =	simm.s32 $0x1;
	s31 =	simm.s32 $0x2;
	s2 =	sshll.u32 s1, $0x7  }
0x6: {  	s15 =	simm.s32 $0x0;
	s8 =	simm.s32 $0x8000;
	s4 =	ssub.s32 $0x1000, s2  }
0x7: {  	s14 =	simm.s32 $0x0;
	s9 =	simm.s32 $0x0;
	s30 =	sand.u32 $0xF80, s4  }
0x8: {  	s10 =	simm.s32 $0x0;
	s11 =	simm.s32 $0x0;
	p0 =	sne.s32 s30, $0x0  }
.Ltmp0:
0x9: {  	s7 =	sshrl.u32 s4, $0xC;
	s5 =	simm.s32 @!p0 $0x0;
	(pc) =	sbr.rel .LBB1_1-.Ltmp0, $4  }
0xa: {  	s13 =	simm.s32 $0x0;
	s1 =	rddreg [dreg:$0x2];
	s5 =	sadd.s32 s5, s7  }
0xb: {  	_ =	strace $0x8000004A;
	s4 =	simm.s32 $0x1;
	s5 =	smul.u32 $0x19, s5  }
0xc: {  	s6 =	sadd.s32 $0xC00, s6;
	s12 =	smov.u32 s2;
	[sflag:s4] =	ssyncpa.u1 $0x0  }
0xd: {  	[sflag:s31] =	ssyncpa.u1 $0x0;
	p0 =	por $0x0, $0x0;
	s7 =	sadd.s32 $0x1, s5  }
.LBB1_4:
0xe: {  	s20 =	sshra.s32 s20, $0x2;
	s28 =	sshll.u32 s10, $0x3;
	p1 =	sgt.s32 s9, $0x18  }
0xf: {  	s21 =	smov.u32 s9;
	s23 =	sshra.s32 s9, $0x1F;
	s24 =	smov.u32 s10  }
0x10: {  	v5 =	vld [tilespmem:s17+$0xFFFFFFD0];
	[tilespmem:s18+$0x2040 ss:$0x81] =	vst.msk $0xffff, v4;
	s25 =	sshra.s32 s10, $0x1F;
	s26 =	sand.u32 $0x78, s10;
	s19 =	sadd.s32 s20, s19  }
0x11: {  	v58 =	vld [tilespmem:s17+$0xFFFFFFE0];
	[tilespmem:s18+$0x2850 ss:$0x81] =	vst.msk $0xffff, v3;
	s22 =	sshrl.u32 s28, $0xC;
	s21 =	simm.s32 @!p1 $0x18;
	s23 =	sand.u32 s23, s9  }
0x12: {  	v59 =	vld [tilespmem:s17+$0xFFFFFFF0];
	[tilespmem:s18+$0x3060 ss:$0x81] =	vst.msk $0xffff, v2;
	p1 =	sgt.s32 s10, $0xF80;
	s29 =	sand.u32 s25, s10;
	s20 =	sand.u32 $0xC00, s28  }
0x13: {  	v60 =	vld [tilespmem:s17+$0x0];
	[tilespmem:s18+$0x0 ss:$0x81] =	vst.msk $0xffff, v0;
	s28 =	smul.u32 $0xC000, s9;
	s21 =	ssub.s32 s21, s23;
	s24 =	simm.s32 @!p1 $0xF80  }
0x14: {  	v61 =	vld [tilespmem:s17+$0x10];
	s30 =	smulhi.u32 $0x2AAAAAB, s22;
	[tilespmem:s19+$0x3870 ss:$0x81] =	vst.msk $0xffff, v1;
	s20 =	sor.u32 s26, s20;
	s31 =	ssub.s32 $0x19, s21  }
0x15: {  	v62 =	vld [tilespmem:s17+$0x20];
	s23 =	ssub.s32 s24, s29;
	s21 =	sadd.s32 $0xFFFFFFE8, s21;
	s25 =	smul.u32 $0x60, s31;
	[tilespmem:s19+$0x810 ss:$0x81] =	vst.msk $0xffff, v5  }
0x16: {  	v63 =	vld [tilespmem:s17+$0xFFFFFFC0];
	s18 =	smul.u32 $0x60, s30;
	p1 =	sgt.s32 s21, $0x0;
	s27 =	sadd.s32 $0xFFFFF080, s23;
	[tilespmem:s19+$0x1020 ss:$0x81] =	vst.msk $0xffff, v58  }
0x17: {  	s17 =	ssub.s32 $0x1000, s23;
	[tilespmem:s19+$0x1830 ss:$0x81] =	vst.msk $0xffff, v59;
	s25 =	simm.s32 @p1 $0x0;
	p1 =	sgt.s32 s27, $0x7F  }
0x18: {  	s29 =	sand.u32 $0x7, s10;
	[tilespmem:s19+$0x2040 ss:$0x81] =	vst.msk $0xffff, v60;
	s18 =	ssub.s32 s22, s18;
	s17 =	simm.s32 @p1 $0x0  }
0x19: {  	s21 =	sadd.s32 s3, s28;
	[tilespmem:s19+$0x2850 ss:$0x81] =	vst.msk $0xffff, v61;
	s18 =	sshll.u32 s18, $0x9;
	s17 =	smul.u32 s17, s25  }
0x1a: {  	s20 =	sshrl.u32 s20, $0x3;
	s30 =	sshll.u32 s29, $0x12;
	[tilespmem:s19+$0x3060 ss:$0x81] =	vst.msk $0xffff, v62;
	s18 =	sadd.s32 s18, s21  }
0x1b: {  	[tilespmem:s19+$0x0 ss:$0x81] =	vst.msk $0xffff, v63;
	s31 =	sor.u32 $0x400, s30;
	s18 =	sadd.s32 s20, s18;
	s17 =	sand.u32 $0x3FFFFFE0, s17  }
0x1c: {  	[hbm4b:s18+s31] =	stream.strided.scatter [tilespmem:s16], [sflag:$0x2], s17, s8, s31, $0x20;
	[tilespmem:$0x10100] =	vst v63  }
.LBB1_5:
0x1d: {  	p1 =	slt.u32 s13, $0x2  }
0x1e: {  	s17 =	smov.u32 s15;
	p2 =	sgt.s32 @!p1 s15, $0x18;
	s16 =	sshra.s32 @!p1 s15, $0x1F  }
0x1f: {  	p3 =	sgt.s32 @!p1 s14, $0xF80;
	s18 =	sshra.s32 @!p1 s14, $0x1F;
	p2 =	por !p2, p1  }
0x20: {  	s15 =	sand.u32 @!p1 s16, s15;
	p3 =	por !p3, p1;
	s16 =	smov.u32 s14  }
0x21: {  	s14 =	sand.u32 @!p1 s18, s14;
	s17 =	simm.s32 @p2 $0x18;
	s16 =	simm.s32 @p3 $0xF80  }
0x22: {  	s18 =	smov.u32 s12;
	s15 =	ssub.s32 @!p1 s17, s15;
	s14 =	ssub.s32 @!p1 s16, s14  }
0x23: {  	s16 =	sadd.s32 @!p1 $0xFFFFFFE8, s15;
	s15 =	ssub.s32 @!p1 $0x19, s15;
	s17 =	sadd.s32 @!p1 $0xFFFFF080, s14  }
0x24: {  	p2 =	sgt.s32 @!p1 s16, $0x0;
	s15 =	smul.u32 @!p1 $0x60, s15;
	p3 =	sgt.s32 @!p1 s17, $0x7F  }
0x25: {  	s14 =	ssub.s32 @!p1 $0x1000, s14;
	p2 =	por !p2, p1;
	p3 =	por !p3, p1  }
0x26: {  	s16 =	sadd.s32 $0x1, s11;
	s15 =	simm.s32 @!p2 $0x0;
	s14 =	simm.s32 @!p3 $0x0  }
0x27: {  	p2 =	sgt.s32 s16, $0x18;
	s14 =	smul.u32 @!p1 s14, s15;
	s15 =	sadd.s32 $0x1000, s12  }
0x28: {  	s18 =	smov.u32 @p2 s15  }
0x29: {  	s16 =	simm.s32 @p2 $0x0;
	p2 =	sgt.s32 s18, $0xFFF  }
0x2a: {  	s18 =	smov.u32 @p2 s2;
	p2 =	sne.s32 s13, s7  }
.Ltmp1:
0x2b: {  	p0 =	por !p0, !p0;
	s17 =	simm.s32 @!p1 $0x2;
	(pc) =	sbr.rel @!p2 .LBB1_6-.Ltmp1, $4  }
0x2c: {  	s15 =	smov.u32 s9;
	s9 =	smov.u32 s11;
	s14 =	sand.u32 @!p1 $0x3FFFFFE0, s14  }
0x2d: {  	s11 =	smov.u32 s16;
	_ =	swait.ge @!p1 [sflag:s17], s14;
	s19 =	ssub.s32 @!p1 $0x0, s14  }
0x2e: {  	s14 =	smov.u32 s10;
	s13 =	sadd.s32 $0x1, s13;
	[sflag:s17] =	ssyncset.done @!p1 $0x0  }
0x2f: {  	s10 =	smov.u32 s12;
	s12 =	smov.u32 s18;
	[sflag:s17] =	ssyncadd.s32 @!p1 s19  }
.LBB1_1:
0x30: {  	p1 =	sge.u32 s13, s5  }
0x31: {  	s31 =	sadd.s32 $0xFFFFFFFF, s13;
	s16 =	sxor.u32 @!p1 $0xFFFFFFFF, s13  }
0x32: {  	s17 =	sshll.u32 @!p1 s12, $0x9;
	s18 =	sshll.u32 @!p1 s11, $0x4;
	s19 =	simm.s32 @!p1 $0x1000  }
0x33: {  	s16 =	sshll.u32 @!p1 s16, $0xE;
	s18 =	sand.u32 @!p1 $0x1F0, s18;
	s17 =	sadd.s32 @!p1 s6, s17  }
0x34: {  	s16 =	sand.u32 @!p1 $0x4000, s16;
	s17 =	sadd.s32 @!p1 s18, s17;
	s18 =	simm.s32 @!p1 $0x80  }
0x35: {  	[tilespmem:s16], [sflag:$0x1] =	stream.strided.gather @!p1 [hbm4b:s17+s18], $0x4000, s19, s18, $0x38;
	[tilespmem:$0x10100] =	vst v63  }
0x36: {  	p1 =	sge.u32 s31, s5  }
.Ltmp2:
0x37: {  	_ = 	snop;
	(pc) =	sbr.rel @p1 .LBB1_5-.Ltmp2, $1  }
0x38: {  	_ =	sdelay $0x3  }
0x39: {  	s16 =	simm.s32 $0x1  }
0x3a: {  	_ =	swait.ge [sflag:s4], $0x4000;
	s16 =	simm.s32 @!p0 $0x0  }
0x3b: {  	[sflag:s4] =	ssyncset.done $0x0;
	s17 =	sshll.u32 s16, $0xE  }
0x3c: {  	[sflag:s4] =	ssyncadd.s32 $0xFFFFC000;
	s17 =	sor.u32 $0x40, s17  }
0x3d: {  	s16 =	smul.u32 $0x10200, s16;
	v0 =	vld [tilespmem:s17+$0x30]  }
0x3e: {  	v1 =	vld [tilespmem:s17+$0xFFFFFFD0]  }
0x3f: {  	s16 =	sshrl.u32 s16, $0x2;
	v5 =	vld [tilespmem:s17+$0xFFFFFFE0]  }
0x40: {  	v6 =	vld [tilespmem:s17+$0xFFFFFFF0];
	s19 =	sor.u32 $0x8000, s16  }
0x41: {  	s31 =	sand.u32 $0x1, s13;
	v4 =	vld [tilespmem:s17+$0x0];
	s18 =	sadd.s32 $0x0, s19  }
0x42: {  	v3 =	vld [tilespmem:s17+$0x10];
	s16 =	smul.u32 $0x10200, s31;
	[tilespmem:s18+$0x3870 ss:$0x81] =	vst.msk $0xffff, v0  }
0x43: {  	v2 =	vld [tilespmem:s17+$0x20];
	[tilespmem:s18+$0x810 ss:$0x81] =	vst.msk $0xffff, v1  }
0x44: {  	s16 =	sshrl.u32 s16, $0x2;
	v0 =	vld [tilespmem:s17+$0xFFFFFFC0];
	[tilespmem:s18+$0x1020 ss:$0x81] =	vst.msk $0xffff, v5;
	s17 =	sadd.s32 $0x80, s17  }
0x45: {  	s20 =	simm.s32 $0x4;
	s21 =	simm.s32 $0x8;
	s16 =	sor.u32 $0x8000, s16;
	[tilespmem:s18+$0x1830 ss:$0x81] =	vst.msk $0xffff, v6;
	v1 =	vld [tilespmem:s17+$0x30]  }
.LBB1_3:
0x46: {  	p1 =	sne.s32 s21, $0x1FC;
	v5 =	vld [tilespmem:s17+$0xFFFFFFD0];
	[tilespmem:s18+$0x2040 ss:$0x81] =	vst.msk $0xffff, v4  }
0x47: {  	v6 =	vld [tilespmem:s17+$0xFFFFFFE0];
	[tilespmem:s18+$0x2850 ss:$0x81] =	vst.msk $0xffff, v3  }
0x48: {  	s22 =	sshra.s32 s20, $0x2;
	s20 =	smov.u32 s21;
	v7 =	vld [tilespmem:s17+$0xFFFFFFF0];
	[tilespmem:s18+$0x3060 ss:$0x81] =	vst.msk $0xffff, v2  }
.Ltmp3:
0x49: {  	v4 =	vld [tilespmem:s17+$0x0];
	[tilespmem:s18+$0x0 ss:$0x81] =	vst.msk $0xffff, v0;
	s18 =	sadd.s32 s22, s19;
	(pc) =	sbr.rel @p1 .LBB1_3-.Ltmp3, $4  }
0x4a: {  	v3 =	vld [tilespmem:s17+$0x10];
	[tilespmem:s18+$0x3870 ss:$0x81] =	vst.msk $0xffff, v1  }
0x4b: {  	[tilespmem:s18+$0x810 ss:$0x81] =	vst.msk $0xffff, v5;
	v2 =	vld [tilespmem:s17+$0x20]  }
0x4c: {  	v0 =	vld [tilespmem:s17+$0xFFFFFFC0];
	[tilespmem:s18+$0x1020 ss:$0x81] =	vst.msk $0xffff, v6;
	s17 =	sadd.s32 $0x80, s17  }
0x4d: {  	s21 =	sadd.s32 $0x4, s21;
	v1 =	vld [tilespmem:s17+$0x30];
	[tilespmem:s18+$0x1830 ss:$0x81] =	vst.msk $0xffff, v7  }
.Ltmp4:
0x4e: {  	_ = 	snop;
	(pc) =	sbr.rel .LBB1_4-.Ltmp4, $1  }
0x4f: {  	_ =	sdelay $0x3  }
.LBB1_6:
0x50: {  	_ =	sfence.sel $0x180000  }
0x51: {  	s2 =	simm.s32 $0x1;
	[bflag:$0x0] =	sbarrier.arrive $0xFFFF  }
0x52: {  	s31 =	simm.s32 $0x2;
	[sflag:s2] =	ssyncpa.u1 $0x1  }
0x53: {  	[sflag:s31] =	ssyncpa.u1 $0x1  }
0x54: {  	p0 =	sne.s32 s0, $0x0;
	_ =	strace $0x9000004A  }
0x55: {  	s0 =	sadd.s32 @!p0 $0x100000, s1;
	[bflag:$0x2] =	sbarrier.arrive $0xFFFF  }
0x56: {  	[sflag:s0] =	ssyncadd.tile.s32 @!p0 $0x1;
	_ =	shalt  }
.Lfunc_end1:
_tile_overlayer_lowered:
.L_overlay_start_2:
0x57: {  	(tag) =	ssettag $0x2  }
0x58: {  	s0 =	rddreg [dreg:$0x0];
	s2 =	stileid.u32  }
0x59: {  	s1 =	rddreg [dreg:$0x1];
	p0 =	sne.s32 s2, $0x0  }
0x5a: {  	s3 =	rddreg [dreg:$0x2];
	[bflag:$0x3] =	sbarrier.arrive $0xFFFF;
	s2 =	simm.s32 @!p0 $0x1C01  }
0x5b: {  	[timem:s3], [sflag:s2] =	dma.local @!p0 [hbm:s0], s1  }
0x5c: {  	s0 =	simm.s32 @!p0 $0x1  }
0x5d: {  	_ =	swait.ge @!p0 [sflag:s0], s1  }
0x5e: {  	s1 =	ssub.s32 @!p0 $0x0, s1;
	[sflag:s0] =	ssyncset.done @!p0 $0x0  }
0x5f: {  	[sflag:s0] =	ssyncadd.s32 @!p0 s1  }
0x60: {  	[bflag:$0x3] =	sbarrier.arrive $0xFFFF  }
0x61: {  	_ =	shalt  }

</sc_bundles>
